<compile_context>
chip_gen: v7x
topology: tpu7x:2x2x1
jax: 0.10.2.dev20260603
libtpu: 0.0.44.dev20260713+nightly
codegen_flags: <defaults>
</compile_context>

<pallas_src>
import functools

import jax
import jax.numpy as jnp
from jax import lax
from jax.experimental import pallas as pl
from jax.experimental.pallas import tpu as pltpu
from jax.experimental.pallas import tpu_sc as plsc

N_NODES = 10000
N_EDGES = 320000
D = 128
NC, NS = 2, 16
NW = NC * NS
E_PER_TILE = N_EDGES // NW
CHUNK = 80
NCHUNK = E_PER_TILE // CHUNK
WB_TILES = 10
WB_ROWS = N_NODES // WB_TILES
ZR = 200


def _sc_segment_sum(src, dst, h):
    mesh = plsc.VectorSubcoreMesh(core_axis_name="c", subcore_axis_name="s")

    @functools.partial(
        pl.kernel,
        out_type=(
            jax.ShapeDtypeStruct((NC, N_NODES, D), jnp.float32),
            jax.ShapeDtypeStruct((NC * N_NODES,), jnp.float32),
        ),
        mesh=mesh,
        scratch_types=[
            pltpu.VMEM((CHUNK,), jnp.int32),
            pltpu.VMEM((CHUNK,), jnp.int32),
            pltpu.VMEM((CHUNK, D), jnp.float32),
            pltpu.VMEM((CHUNK,), jnp.float32),
            pltpu.VMEM((ZR, D), jnp.float32),
            pltpu.VMEM((WB_ROWS,), jnp.float32),
            pltpu.VMEM_SHARED((N_NODES, D), jnp.float32),
            pltpu.VMEM_SHARED((N_NODES,), jnp.float32),
            pltpu.SemaphoreType.DMA,
        ],
    )
    def body(src_hbm, dst_hbm, h_hbm, s_out, deg_out,
             sidx, didx, rows, ones, zbuf, dbuf, s_acc, d_acc, sem):
        c = lax.axis_index("c")
        s = lax.axis_index("s")
        zero16 = jnp.zeros((16,), jnp.float32)

        @pl.loop(0, ZR)
        def _zero_zbuf(r):
            for j in range(D // 16):
                zbuf[r, pl.ds(j * 16, 16)] = zero16

        @pl.loop(0, WB_ROWS // 16)
        def _zero_dbuf(r):
            dbuf[pl.ds(r * 16, 16)] = zero16

        for r in range(CHUNK // 16):
            ones[pl.ds(r * 16, 16)] = jnp.ones((16,), jnp.float32)

        tb = s * WB_ROWS

        @pl.when(s < WB_TILES)
        def _init():
            @pl.loop(0, WB_ROWS // ZR)
            def _zero_sacc(k):
                pltpu.sync_copy(zbuf, s_acc.at[pl.ds(tb + k * ZR, ZR)])
            pltpu.sync_copy(dbuf, d_acc.at[pl.ds(tb, WB_ROWS)])

        plsc.subcore_barrier()

        ebase = (c * NS + s) * E_PER_TILE

        @pl.loop(0, NCHUNK)
        def _chunk(i):
            base = ebase + i * CHUNK
            pltpu.sync_copy(src_hbm.at[pl.ds(base, CHUNK)], sidx)
            pltpu.sync_copy(dst_hbm.at[pl.ds(base, CHUNK)], didx)
            pltpu.async_copy(h_hbm.at[sidx], rows, sem).wait()
            pltpu.sync_copy(rows, s_acc.at[didx], add=True)
            pltpu.sync_copy(ones, d_acc.at[didx], add=True)

        plsc.subcore_barrier()

        @pl.when(s < WB_TILES)
        def _writeback():
            @pl.loop(0, WB_ROWS // ZR)
            def _wb(k):
                r0 = tb + k * ZR
                pltpu.sync_copy(s_acc.at[pl.ds(r0, ZR)], zbuf)
                pltpu.sync_copy(zbuf, s_out.at[c, pl.ds(r0, ZR)])
            pltpu.sync_copy(d_acc.at[pl.ds(tb, WB_ROWS)], dbuf)
            pltpu.sync_copy(dbuf, deg_out.at[pl.ds(c * N_NODES + tb, WB_ROWS)])

    return body(src, dst, h)


_BLK = 1000


def _tc_body(h_ref, s_ref, dg_ref, w1_ref, w2_ref, b_ref, o_ref):
    hv = h_ref[...]
    sv = s_ref[0] + s_ref[1]
    deg = dg_ref[0] + dg_ref[1]
    h_n = (sv + deg * hv) / jnp.maximum(deg, 1.0)
    o_ref[...] = (
        jnp.dot(hv, w1_ref[...], preferred_element_type=jnp.float32)
        + jnp.dot(h_n, w2_ref[...], preferred_element_type=jnp.float32)
        + b_ref[...]
    )


def _tc_combine(h, s_parts, deg_parts, w1t, w2t, b2d):
    grid = (N_NODES // _BLK,)
    return pl.pallas_call(
        _tc_body,
        grid=grid,
        in_specs=[
            pl.BlockSpec((_BLK, D), lambda i: (i, 0)),
            pl.BlockSpec((NC, _BLK, D), lambda i: (0, i, 0)),
            pl.BlockSpec((NC, _BLK, 1), lambda i: (0, i, 0)),
            pl.BlockSpec((D, D), lambda i: (0, 0)),
            pl.BlockSpec((D, D), lambda i: (0, 0)),
            pl.BlockSpec((1, D), lambda i: (0, 0)),
        ],
        out_specs=pl.BlockSpec((_BLK, D), lambda i: (i, 0)),
        out_shape=jax.ShapeDtypeStruct((N_NODES, D), jnp.float32),
    )(h, s_parts, deg_parts, w1t, w2t, b2d)


def kernel(h, edge_index, W, b):
    src = edge_index[0].astype(jnp.int32)
    dst = edge_index[1].astype(jnp.int32)
    s_parts, deg_parts = _sc_segment_sum(src, dst, h)
    wt = W.T
    return _tc_combine(h, s_parts, deg_parts.reshape(NC, N_NODES, 1),
                       wt[:D], wt[D:], b.reshape(1, D))

# --- scband reference (transcript-rebuilt; emitter-appended) ---
"""Pipeline reference for scband-graph-sage-54786602828009 (READ-ONLY COPY).

The authoritative reference and input builder live on the scoring server;
editing this copy changes nothing except your own understanding.
"""

import jax, jax.numpy as jnp
import numpy as np

N_NODES = 10000
N_EDGES = 320000
IN_FEATS = 128
OUT_FEATS = 128


def setup_inputs(seed: int = 0) -> dict:
    key = jax.random.key(seed)
    k1, k2, k3, k4 = jax.random.split(key, 4)
    h = jax.random.normal(k1, (N_NODES, IN_FEATS), dtype=jnp.float32)
    edge_index = jax.random.randint(k2, (2, N_EDGES), 0, N_NODES, dtype=jnp.int64)
    # nn.Linear(in_features=2*inFeats, out_features=outFeats)
    bound = 1.0 / np.sqrt(2 * IN_FEATS)
    W = jax.random.uniform(k3, (OUT_FEATS, 2 * IN_FEATS), dtype=jnp.float32, minval=-bound, maxval=bound)
    b = jax.random.uniform(k4, (OUT_FEATS,), dtype=jnp.float32, minval=-bound, maxval=bound)
    return {"h": h, "edge_index": edge_index, "W": W, "b": b}


def reference(h, edge_index, W, b):
    src = edge_index[0]
    dst = edge_index[1]
    # message: u_add_v -> m_e = h[src] + h[dst]
    m = jnp.take(h, src, axis=0) + jnp.take(h, dst, axis=0)
    # reduce: mean over incoming edges at dst
    msg_sum = jax.ops.segment_sum(m, dst, num_segments=N_NODES)
    deg = jax.ops.segment_sum(jnp.ones((N_EDGES,), dtype=jnp.float32), dst, num_segments=N_NODES)
    h_N = msg_sum / jnp.clip(deg, 1.0, None)[:, None]
    h_total = jnp.concatenate([h, h_N], axis=1)
    return h_total @ W.T + b

if __name__ == "__main__":
    import jax
    _d = setup_inputs()
    print(jax.jit(kernel)(*tuple(_d.values())))

</pallas_src>

<mosaic_0001>
#map = affine_map<(d0, d1) -> (0)>
#map1 = affine_map<(d0, d1) -> (0, 0)>
#map2 = affine_map<(d0, d1) -> (0, 0, 0)>
module attributes {stable_mosaic.version = 14 : i64} {
  func.func @body(%arg0: i32, %arg1: i32, %arg2: memref<320000xi32, #tpu.memory_space<hbm>>, %arg3: memref<320000xi32, #tpu.memory_space<hbm>>, %arg4: memref<10000x128xf32, #tpu.memory_space<hbm>>, %arg5: memref<2x10000x128xf32, #tpu.memory_space<hbm>>, %arg6: memref<20000xf32, #tpu.memory_space<hbm>>, %arg7: memref<80xi32, #tpu.memory_space<vmem>>, %arg8: memref<80xi32, #tpu.memory_space<vmem>>, %arg9: memref<80x128xf32, #tpu.memory_space<vmem>>, %arg10: memref<80xf32, #tpu.memory_space<vmem>>, %arg11: memref<200x128xf32, #tpu.memory_space<vmem>>, %arg12: memref<1000xf32, #tpu.memory_space<vmem>>, %arg13: memref<10000x128xf32, #tpu.memory_space<vmem_shared>>, %arg14: memref<10000xf32, #tpu.memory_space<vmem_shared>>, %arg15: memref<!tpu.dma_semaphore, #tpu.memory_space<semaphore_mem>>) attributes {dimension_semantics = [#tpu.dimension_semantics<core_parallel>, #tpu.dimension_semantics<subcore_parallel>], iteration_bounds = array<i64: 2, 16>, scalar_prefetch = 0 : i64, scratch_operands = 9 : i64, tpu.core_type = #tpu.core_type<sc_vector_subcore>, window_params = [{transform_indices = #map}, {transform_indices = #map}, {transform_indices = #map1}, {transform_indices = #map2}, {transform_indices = #map}]} {
    %broadcast_in_dim3A = arith.constant 0.000000e+00 : f32
    %broadcast_in_dim3A_0 = vector.broadcast %broadcast_in_dim3A : f32 to vector<16xf32>
    %scan3A = arith.constant 0 : i32
    %scan3A_1 = arith.constant 200 : i32
    %scan3A_2 = arith.addi %scan3A, %scan3A_1 : i32
    %scan3A_3 = arith.constant 1 : i32
    scf.for %scan3A_57 = %scan3A to %scan3A_2 step %scan3A_3  : i32 {
      %mul3A_58 = arith.constant 1 : i32
      %mul3A_59 = arith.muli %scan3A_57, %mul3A_58 : i32
      %add3A_60 = arith.constant 0 : i32
      %add3A_61 = arith.addi %add3A_60, %mul3A_59 : i32
      %swap3A_62 = arith.index_cast %add3A_61 : i32 to index
      %swap3A_63 = arith.constant 0 : index
      %swap3A_64 = tpu.vector_load %arg11[%swap3A_62, %swap3A_63] {strides = array<i32>} : memref<200x128xf32, #tpu.memory_space<vmem>>, vector<1x16xf32>,
      %swap3A_65 = vector.shape_cast %swap3A_64 : vector<1x16xf32> to vector<16xf32>
      %swap3A_66 = vector.shape_cast %broadcast_in_dim3A_0 : vector<16xf32> to vector<1x16xf32>
      tpu.vector_store %arg11[%swap3A_62, %swap3A_63], %swap3A_66 {strides = array<i32>} : memref<200x128xf32, #tpu.memory_space<vmem>>, vector<1x16xf32>,
      %swap3A_67 = arith.index_cast %add3A_61 : i32 to index
      %swap3A_68 = arith.constant 16 : index
      %swap3A_69 = tpu.vector_load %arg11[%swap3A_67, %swap3A_68] {strides = array<i32>} : memref<200x128xf32, #tpu.memory_space<vmem>>, vector<1x16xf32>,
      %swap3A_70 = vector.shape_cast %swap3A_69 : vector<1x16xf32> to vector<16xf32>
      %swap3A_71 = vector.shape_cast %broadcast_in_dim3A_0 : vector<16xf32> to vector<1x16xf32>
      tpu.vector_store %arg11[%swap3A_67, %swap3A_68], %swap3A_71 {strides = array<i32>} : memref<200x128xf32, #tpu.memory_space<vmem>>, vector<1x16xf32>,
      %swap3A_72 = arith.index_cast %add3A_61 : i32 to index
      %swap3A_73 = arith.constant 32 : index
      %swap3A_74 = tpu.vector_load %arg11[%swap3A_72, %swap3A_73] {strides = array<i32>} : memref<200x128xf32, #tpu.memory_space<vmem>>, vector<1x16xf32>,
      %swap3A_75 = vector.shape_cast %swap3A_74 : vector<1x16xf32> to vector<16xf32>
      %swap3A_76 = vector.shape_cast %broadcast_in_dim3A_0 : vector<16xf32> to vector<1x16xf32>
      tpu.vector_store %arg11[%swap3A_72, %swap3A_73], %swap3A_76 {strides = array<i32>} : memref<200x128xf32, #tpu.memory_space<vmem>>, vector<1x16xf32>,
      %swap3A_77 = arith.index_cast %add3A_61 : i32 to index
      %swap3A_78 = arith.constant 48 : index
      %swap3A_79 = tpu.vector_load %arg11[%swap3A_77, %swap3A_78] {strides = array<i32>} : memref<200x128xf32, #tpu.memory_space<vmem>>, vector<1x16xf32>,
      %swap3A_80 = vector.shape_cast %swap3A_79 : vector<1x16xf32> to vector<16xf32>
      %swap3A_81 = vector.shape_cast %broadcast_in_dim3A_0 : vector<16xf32> to vector<1x16xf32>
      tpu.vector_store %arg11[%swap3A_77, %swap3A_78], %swap3A_81 {strides = array<i32>} : memref<200x128xf32, #tpu.memory_space<vmem>>, vector<1x16xf32>,
      %swap3A_82 = arith.index_cast %add3A_61 : i32 to index
      %swap3A_83 = arith.constant 64 : index
      %swap3A_84 = tpu.vector_load %arg11[%swap3A_82, %swap3A_83] {strides = array<i32>} : memref<200x128xf32, #tpu.memory_space<vmem>>, vector<1x16xf32>,
      %swap3A_85 = vector.shape_cast %swap3A_84 : vector<1x16xf32> to vector<16xf32>
      %swap3A_86 = vector.shape_cast %broadcast_in_dim3A_0 : vector<16xf32> to vector<1x16xf32>
      tpu.vector_store %arg11[%swap3A_82, %swap3A_83], %swap3A_86 {strides = array<i32>} : memref<200x128xf32, #tpu.memory_space<vmem>>, vector<1x16xf32>,
      %swap3A_87 = arith.index_cast %add3A_61 : i32 to index
      %swap3A_88 = arith.constant 80 : index
      %swap3A_89 = tpu.vector_load %arg11[%swap3A_87, %swap3A_88] {strides = array<i32>} : memref<200x128xf32, #tpu.memory_space<vmem>>, vector<1x16xf32>,
      %swap3A_90 = vector.shape_cast %swap3A_89 : vector<1x16xf32> to vector<16xf32>
      %swap3A_91 = vector.shape_cast %broadcast_in_dim3A_0 : vector<16xf32> to vector<1x16xf32>
      tpu.vector_store %arg11[%swap3A_87, %swap3A_88], %swap3A_91 {strides = array<i32>} : memref<200x128xf32, #tpu.memory_space<vmem>>, vector<1x16xf32>,
      %swap3A_92 = arith.index_cast %add3A_61 : i32 to index
      %swap3A_93 = arith.constant 96 : index
      %swap3A_94 = tpu.vector_load %arg11[%swap3A_92, %swap3A_93] {strides = array<i32>} : memref<200x128xf32, #tpu.memory_space<vmem>>, vector<1x16xf32>,
      %swap3A_95 = vector.shape_cast %swap3A_94 : vector<1x16xf32> to vector<16xf32>
      %swap3A_96 = vector.shape_cast %broadcast_in_dim3A_0 : vector<16xf32> to vector<1x16xf32>
      tpu.vector_store %arg11[%swap3A_92, %swap3A_93], %swap3A_96 {strides = array<i32>} : memref<200x128xf32, #tpu.memory_space<vmem>>, vector<1x16xf32>,
      %swap3A_97 = arith.index_cast %add3A_61 : i32 to index
      %swap3A_98 = arith.constant 112 : index
      %swap3A_99 = tpu.vector_load %arg11[%swap3A_97, %swap3A_98] {strides = array<i32>} : memref<200x128xf32, #tpu.memory_space<vmem>>, vector<1x16xf32>,
      %swap3A_100 = vector.shape_cast %swap3A_99 : vector<1x16xf32> to vector<16xf32>
      %swap3A_101 = vector.shape_cast %broadcast_in_dim3A_0 : vector<16xf32> to vector<1x16xf32>
      tpu.vector_store %arg11[%swap3A_97, %swap3A_98], %swap3A_101 {strides = array<i32>} : memref<200x128xf32, #tpu.memory_space<vmem>>, vector<1x16xf32>,
    }
    %scan3A_4 = arith.constant 200 : i32
    %scan3A_5 = arith.constant 0 : i32
    %scan3A_6 = arith.constant 62 : i32
    %scan3A_7 = arith.addi %scan3A_5, %scan3A_6 : i32
    %scan3A_8 = arith.constant 1 : i32
    scf.for %scan3A_57 = %scan3A_5 to %scan3A_7 step %scan3A_8  : i32 {
      %mul3A_58 = arith.constant 1 : i32
      %mul3A_59 = arith.muli %scan3A_57, %mul3A_58 : i32
      %add3A_60 = arith.constant 0 : i32
      %add3A_61 = arith.addi %add3A_60, %mul3A_59 : i32
      %mul3A_62 = arith.constant 16 : i32
      %mul3A_63 = arith.muli %add3A_61, %mul3A_62 : i32
      %swap3A_64 = arith.index_cast %mul3A_63 : i32 to index
      %swap3A_65 = tpu.vector_load %arg12[%swap3A_64] {strides = array<i32>} : memref<1000xf32, #tpu.memory_space<vmem>>, vector<16xf32>,
      %swap3A_66 = vector.shape_cast %swap3A_65 : vector<16xf32> to vector<16xf32>
      %swap3A_67 = vector.shape_cast %broadcast_in_dim3A_0 : vector<16xf32> to vector<16xf32>
      tpu.vector_store %arg12[%swap3A_64], %swap3A_67 {strides = array<i32>} : memref<1000xf32, #tpu.memory_space<vmem>>, vector<16xf32>,
    }
    %scan3A_9 = arith.constant 62 : i32
    %broadcast_in_dim3A_10 = arith.constant 1.000000e+00 : f32
    %broadcast_in_dim3A_11 = vector.broadcast %broadcast_in_dim3A_10 : f32 to vector<16xf32>
    %swap3A = arith.constant 0 : index
    %swap3A_12 = tpu.vector_load %arg10[%swap3A] {strides = array<i32>} : memref<80xf32, #tpu.memory_space<vmem>>, vector<16xf32>,
    %swap3A_13 = vector.shape_cast %swap3A_12 : vector<16xf32> to vector<16xf32>
    %swap3A_14 = vector.shape_cast %broadcast_in_dim3A_11 : vector<16xf32> to vector<16xf32>
    tpu.vector_store %arg10[%swap3A], %swap3A_14 {strides = array<i32>} : memref<80xf32, #tpu.memory_space<vmem>>, vector<16xf32>,
    %broadcast_in_dim3A_15 = arith.constant 1.000000e+00 : f32
    %broadcast_in_dim3A_16 = vector.broadcast %broadcast_in_dim3A_15 : f32 to vector<16xf32>
    %swap3A_17 = arith.constant 16 : index
    %swap3A_18 = tpu.vector_load %arg10[%swap3A_17] {strides = array<i32>} : memref<80xf32, #tpu.memory_space<vmem>>, vector<16xf32>,
    %swap3A_19 = vector.shape_cast %swap3A_18 : vector<16xf32> to vector<16xf32>
    %swap3A_20 = vector.shape_cast %broadcast_in_dim3A_16 : vector<16xf32> to vector<16xf32>
    tpu.vector_store %arg10[%swap3A_17], %swap3A_20 {strides = array<i32>} : memref<80xf32, #tpu.memory_space<vmem>>, vector<16xf32>,
    %broadcast_in_dim3A_21 = arith.constant 1.000000e+00 : f32
    %broadcast_in_dim3A_22 = vector.broadcast %broadcast_in_dim3A_21 : f32 to vector<16xf32>
    %swap3A_23 = arith.constant 32 : index
    %swap3A_24 = tpu.vector_load %arg10[%swap3A_23] {strides = array<i32>} : memref<80xf32, #tpu.memory_space<vmem>>, vector<16xf32>,
    %swap3A_25 = vector.shape_cast %swap3A_24 : vector<16xf32> to vector<16xf32>
    %swap3A_26 = vector.shape_cast %broadcast_in_dim3A_22 : vector<16xf32> to vector<16xf32>
    tpu.vector_store %arg10[%swap3A_23], %swap3A_26 {strides = array<i32>} : memref<80xf32, #tpu.memory_space<vmem>>, vector<16xf32>,
    %broadcast_in_dim3A_27 = arith.constant 1.000000e+00 : f32
    %broadcast_in_dim3A_28 = vector.broadcast %broadcast_in_dim3A_27 : f32 to vector<16xf32>
    %swap3A_29 = arith.constant 48 : index
    %swap3A_30 = tpu.vector_load %arg10[%swap3A_29] {strides = array<i32>} : memref<80xf32, #tpu.memory_space<vmem>>, vector<16xf32>,
    %swap3A_31 = vector.shape_cast %swap3A_30 : vector<16xf32> to vector<16xf32>
    %swap3A_32 = vector.shape_cast %broadcast_in_dim3A_28 : vector<16xf32> to vector<16xf32>
    tpu.vector_store %arg10[%swap3A_29], %swap3A_32 {strides = array<i32>} : memref<80xf32, #tpu.memory_space<vmem>>, vector<16xf32>,
    %broadcast_in_dim3A_33 = arith.constant 1.000000e+00 : f32
    %broadcast_in_dim3A_34 = vector.broadcast %broadcast_in_dim3A_33 : f32 to vector<16xf32>
    %swap3A_35 = arith.constant 64 : index
    %swap3A_36 = tpu.vector_load %arg10[%swap3A_35] {strides = array<i32>} : memref<80xf32, #tpu.memory_space<vmem>>, vector<16xf32>,
    %swap3A_37 = vector.shape_cast %swap3A_36 : vector<16xf32> to vector<16xf32>
    %swap3A_38 = vector.shape_cast %broadcast_in_dim3A_34 : vector<16xf32> to vector<16xf32>
    tpu.vector_store %arg10[%swap3A_35], %swap3A_38 {strides = array<i32>} : memref<80xf32, #tpu.memory_space<vmem>>, vector<16xf32>,
    %mul3A = arith.constant 1000 : i32
    %mul3A_39 = arith.muli %arg1, %mul3A : i32
    %lt3A = arith.constant 10 : i32
    %lt3A_40 = arith.cmpi slt, %arg1, %lt3A : i32
    %convert_element_type3A = arith.extui %lt3A_40 : i1 to i32
    %cond3A = arith.constant 0 : i32
    %cond3A_41 = arith.cmpi ne, %convert_element_type3A, %cond3A : i32
    scf.if %cond3A_41 {
      %scan3A_57 = arith.constant 0 : i32
      %scan3A_58 = arith.constant 5 : i32
      %scan3A_59 = arith.addi %scan3A_57, %scan3A_58 : i32
      %scan3A_60 = arith.constant 1 : i32
      scf.for %scan3A_62 = %scan3A_57 to %scan3A_59 step %scan3A_60  : i32 {
        %mul3A_63 = arith.constant 1 : i32
        %mul3A_64 = arith.muli %scan3A_62, %mul3A_63 : i32
        %add3A_65 = arith.constant 0 : i32
        %add3A_66 = arith.addi %add3A_65, %mul3A_64 : i32
        %mul3A_67 = arith.constant 200 : i32
        %mul3A_68 = arith.muli %add3A_66, %mul3A_67 : i32
        %add3A_69 = arith.addi %mul3A_39, %mul3A_68 : i32
        "tpu.region"() ({
          %run_scoped3A = tpu.sem_alloc : memref<!tpu.dma_semaphore, #tpu.memory_space<semaphore_mem>>
          %dma_start3A = arith.constant 0 : i32
          %dma_start3A_70 = tpu.memref_slice %arg13[%add3A_69, %dma_start3A] : memref<10000x128xf32, #tpu.memory_space<vmem_shared>> -> memref<200x128xf32, #tpu.memory_space<vmem_shared>>
          %dma_start3A_71 = arith.constant 0 : i32
          %dma_start3A_72 = tpu.memref_slice %arg13[%add3A_69, %dma_start3A_71] : memref<10000x128xf32, #tpu.memory_space<vmem_shared>> -> memref<200x128xf32, #tpu.memory_space<vmem_shared>>
          tpu.enqueue_dma source(%arg11 : memref<200x128xf32, #tpu.memory_space<vmem>>) target(%dma_start3A_72 : memref<200x128xf32, #tpu.memory_space<vmem_shared>>) target_semaphore(%run_scoped3A : memref<!tpu.dma_semaphore, #tpu.memory_space<semaphore_mem>>)
          %dma_wait3A = arith.constant 0 : i32
          %dma_wait3A_73 = tpu.memref_slice %arg13[%add3A_69, %dma_wait3A] : memref<10000x128xf32, #tpu.memory_space<vmem_shared>> -> memref<200x128xf32, #tpu.memory_space<vmem_shared>>
          %dma_wait3A_74 = arith.constant 0 : i32
          %dma_wait3A_75 = tpu.memref_slice %arg13[%add3A_69, %dma_wait3A_74] : memref<10000x128xf32, #tpu.memory_space<vmem_shared>> -> memref<200x128xf32, #tpu.memory_space<vmem_shared>>
          tpu.wait_dma2 semaphore(%run_scoped3A : memref<!tpu.dma_semaphore, #tpu.memory_space<semaphore_mem>>) src(%arg11 : memref<200x128xf32, #tpu.memory_space<vmem>>) dst(%dma_wait3A_75 : memref<200x128xf32, #tpu.memory_space<vmem_shared>>)
          tpu.yield
        }) : () -> ()
      }
      %scan3A_61 = arith.constant 5 : i32
      "tpu.region"() ({
        %run_scoped3A = tpu.sem_alloc : memref<!tpu.dma_semaphore, #tpu.memory_space<semaphore_mem>>
        %dma_start3A = tpu.memref_slice %arg14[%mul3A_39] : memref<10000xf32, #tpu.memory_space<vmem_shared>> -> memref<1000xf32, #tpu.memory_space<vmem_shared>>
        %dma_start3A_62 = tpu.memref_slice %arg14[%mul3A_39] : memref<10000xf32, #tpu.memory_space<vmem_shared>> -> memref<1000xf32, #tpu.memory_space<vmem_shared>>
        tpu.enqueue_dma source(%arg12 : memref<1000xf32, #tpu.memory_space<vmem>>) target(%dma_start3A_62 : memref<1000xf32, #tpu.memory_space<vmem_shared>>) target_semaphore(%run_scoped3A : memref<!tpu.dma_semaphore, #tpu.memory_space<semaphore_mem>>)
        %dma_wait3A = tpu.memref_slice %arg14[%mul3A_39] : memref<10000xf32, #tpu.memory_space<vmem_shared>> -> memref<1000xf32, #tpu.memory_space<vmem_shared>>
        %dma_wait3A_63 = tpu.memref_slice %arg14[%mul3A_39] : memref<10000xf32, #tpu.memory_space<vmem_shared>> -> memref<1000xf32, #tpu.memory_space<vmem_shared>>
        tpu.wait_dma2 semaphore(%run_scoped3A : memref<!tpu.dma_semaphore, #tpu.memory_space<semaphore_mem>>) src(%arg12 : memref<1000xf32, #tpu.memory_space<vmem>>) dst(%dma_wait3A_63 : memref<1000xf32, #tpu.memory_space<vmem_shared>>)
        tpu.yield
      }) : () -> ()
    } else {
    }
    %barrier3A = arith.constant 0 : index
    tpu.barrier barrier_id(%barrier3A)
    %mul3A_42 = arith.constant 16 : i32
    %mul3A_43 = arith.muli %arg0, %mul3A_42 : i32
    %add3A = arith.addi %mul3A_43, %arg1 : i32
    %mul3A_44 = arith.constant 10000 : i32
    %mul3A_45 = arith.muli %add3A, %mul3A_44 : i32
    %scan3A_46 = arith.constant 0 : i32
    %scan3A_47 = arith.constant 125 : i32
    %scan3A_48 = arith.addi %scan3A_46, %scan3A_47 : i32
    %scan3A_49 = arith.constant 1 : i32
    scf.for %scan3A_57 = %scan3A_46 to %scan3A_48 step %scan3A_49  : i32 {
      %mul3A_58 = arith.constant 1 : i32
      %mul3A_59 = arith.muli %scan3A_57, %mul3A_58 : i32
      %add3A_60 = arith.constant 0 : i32
      %add3A_61 = arith.addi %add3A_60, %mul3A_59 : i32
      %mul3A_62 = arith.constant 80 : i32
      %mul3A_63 = arith.muli %add3A_61, %mul3A_62 : i32
      %add3A_64 = arith.addi %mul3A_45, %mul3A_63 : i32
      "tpu.region"() ({
        %run_scoped3A = tpu.sem_alloc : memref<!tpu.dma_semaphore, #tpu.memory_space<semaphore_mem>>
        %dma_start3A_69 = tpu.memref_slice %arg2[%add3A_64] : memref<320000xi32, #tpu.memory_space<hbm>> -> memref<80xi32, #tpu.memory_space<hbm>>
        %dma_start3A_70 = tpu.memref_slice %arg2[%add3A_64] : memref<320000xi32, #tpu.memory_space<hbm>> -> memref<80xi32, #tpu.memory_space<hbm>>
        tpu.enqueue_dma source(%dma_start3A_70 : memref<80xi32, #tpu.memory_space<hbm>>) target(%arg7 : memref<80xi32, #tpu.memory_space<vmem>>) target_semaphore(%run_scoped3A : memref<!tpu.dma_semaphore, #tpu.memory_space<semaphore_mem>>)
        %dma_wait3A_71 = tpu.memref_slice %arg2[%add3A_64] : memref<320000xi32, #tpu.memory_space<hbm>> -> memref<80xi32, #tpu.memory_space<hbm>>
        %dma_wait3A_72 = tpu.memref_slice %arg2[%add3A_64] : memref<320000xi32, #tpu.memory_space<hbm>> -> memref<80xi32, #tpu.memory_space<hbm>>
        tpu.wait_dma2 semaphore(%run_scoped3A : memref<!tpu.dma_semaphore, #tpu.memory_space<semaphore_mem>>) src(%dma_wait3A_72 : memref<80xi32, #tpu.memory_space<hbm>>) dst(%arg7 : memref<80xi32, #tpu.memory_space<vmem>>)
        tpu.yield
      }) : () -> ()
      "tpu.region"() ({
        %run_scoped3A = tpu.sem_alloc : memref<!tpu.dma_semaphore, #tpu.memory_space<semaphore_mem>>
        %dma_start3A_69 = tpu.memref_slice %arg3[%add3A_64] : memref<320000xi32, #tpu.memory_space<hbm>> -> memref<80xi32, #tpu.memory_space<hbm>>
        %dma_start3A_70 = tpu.memref_slice %arg3[%add3A_64] : memref<320000xi32, #tpu.memory_space<hbm>> -> memref<80xi32, #tpu.memory_space<hbm>>
        tpu.enqueue_dma source(%dma_start3A_70 : memref<80xi32, #tpu.memory_space<hbm>>) target(%arg8 : memref<80xi32, #tpu.memory_space<vmem>>) target_semaphore(%run_scoped3A : memref<!tpu.dma_semaphore, #tpu.memory_space<semaphore_mem>>)
        %dma_wait3A_71 = tpu.memref_slice %arg3[%add3A_64] : memref<320000xi32, #tpu.memory_space<hbm>> -> memref<80xi32, #tpu.memory_space<hbm>>
        %dma_wait3A_72 = tpu.memref_slice %arg3[%add3A_64] : memref<320000xi32, #tpu.memory_space<hbm>> -> memref<80xi32, #tpu.memory_space<hbm>>
        tpu.wait_dma2 semaphore(%run_scoped3A : memref<!tpu.dma_semaphore, #tpu.memory_space<semaphore_mem>>) src(%dma_wait3A_72 : memref<80xi32, #tpu.memory_space<hbm>>) dst(%arg8 : memref<80xi32, #tpu.memory_space<vmem>>)
        tpu.yield
      }) : () -> ()
      %dma_start3A = arith.constant 0 : i32
      %dma_start3A_65 = arith.constant 0 : i32
      %dma_start3A_66 = tpu.memref_slice %arg4[%dma_start3A, %dma_start3A_65] : memref<10000x128xf32, #tpu.memory_space<hbm>> -> memref<10000x128xf32, #tpu.memory_space<hbm>>
      tpu.enqueue_indirect_dma source(%dma_start3A_66 : memref<10000x128xf32, #tpu.memory_space<hbm>>) target(%arg9 : memref<80x128xf32, #tpu.memory_space<vmem>>) offsets(%arg7 : memref<80xi32, #tpu.memory_space<vmem>>) semaphore(%arg15 : memref<!tpu.dma_semaphore, #tpu.memory_space<semaphore_mem>>)
      %dma_wait3A = arith.constant 0 : i32
      %dma_wait3A_67 = arith.constant 0 : i32
      %dma_wait3A_68 = tpu.memref_slice %arg4[%dma_wait3A, %dma_wait3A_67] : memref<10000x128xf32, #tpu.memory_space<hbm>> -> memref<10000x128xf32, #tpu.memory_space<hbm>>
      tpu.wait_indirect_dma semaphore(%arg15 : memref<!tpu.dma_semaphore, #tpu.memory_space<semaphore_mem>>) src(%dma_wait3A_68 : memref<10000x128xf32, #tpu.memory_space<hbm>>) dst(%arg9 : memref<80x128xf32, #tpu.memory_space<vmem>>)
      "tpu.region"() ({
        %run_scoped3A = tpu.sem_alloc : memref<!tpu.dma_semaphore, #tpu.memory_space<semaphore_mem>>
        %dma_start3A_69 = arith.constant 0 : i32
        %dma_start3A_70 = arith.constant 0 : i32
        %dma_start3A_71 = tpu.memref_slice %arg13[%dma_start3A_69, %dma_start3A_70] : memref<10000x128xf32, #tpu.memory_space<vmem_shared>> -> memref<10000x128xf32, #tpu.memory_space<vmem_shared>>
        tpu.enqueue_indirect_dma source(%arg9 : memref<80x128xf32, #tpu.memory_space<vmem>>) target(%dma_start3A_71 : memref<10000x128xf32, #tpu.memory_space<vmem_shared>>) offsets(%arg8 : memref<80xi32, #tpu.memory_space<vmem>>) semaphore(%run_scoped3A : memref<!tpu.dma_semaphore, #tpu.memory_space<semaphore_mem>>) {add = true}
        %dma_wait3A_72 = arith.constant 0 : i32
        %dma_wait3A_73 = arith.constant 0 : i32
        %dma_wait3A_74 = tpu.memref_slice %arg13[%dma_wait3A_72, %dma_wait3A_73] : memref<10000x128xf32, #tpu.memory_space<vmem_shared>> -> memref<10000x128xf32, #tpu.memory_space<vmem_shared>>
        tpu.wait_indirect_dma semaphore(%run_scoped3A : memref<!tpu.dma_semaphore, #tpu.memory_space<semaphore_mem>>) src(%arg9 : memref<80x128xf32, #tpu.memory_space<vmem>>) dst(%dma_wait3A_74 : memref<10000x128xf32, #tpu.memory_space<vmem_shared>>)
        tpu.yield
      }) : () -> ()
      "tpu.region"() ({
        %run_scoped3A = tpu.sem_alloc : memref<!tpu.dma_semaphore, #tpu.memory_space<semaphore_mem>>
        %dma_start3A_69 = arith.constant 0 : i32
        %dma_start3A_70 = tpu.memref_slice %arg14[%dma_start3A_69] : memref<10000xf32, #tpu.memory_space<vmem_shared>> -> memref<10000xf32, #tpu.memory_space<vmem_shared>>
        tpu.enqueue_indirect_dma source(%arg10 : memref<80xf32, #tpu.memory_space<vmem>>) target(%dma_start3A_70 : memref<10000xf32, #tpu.memory_space<vmem_shared>>) offsets(%arg8 : memref<80xi32, #tpu.memory_space<vmem>>) semaphore(%run_scoped3A : memref<!tpu.dma_semaphore, #tpu.memory_space<semaphore_mem>>) {add = true}
        %dma_wait3A_71 = arith.constant 0 : i32
        %dma_wait3A_72 = tpu.memref_slice %arg14[%dma_wait3A_71] : memref<10000xf32, #tpu.memory_space<vmem_shared>> -> memref<10000xf32, #tpu.memory_space<vmem_shared>>
        tpu.wait_indirect_dma semaphore(%run_scoped3A : memref<!tpu.dma_semaphore, #tpu.memory_space<semaphore_mem>>) src(%arg10 : memref<80xf32, #tpu.memory_space<vmem>>) dst(%dma_wait3A_72 : memref<10000xf32, #tpu.memory_space<vmem_shared>>)
        tpu.yield
      }) : () -> ()
    }
    %scan3A_50 = arith.constant 125 : i32
    %barrier3A_51 = arith.constant 0 : index
    tpu.barrier barrier_id(%barrier3A_51)
    %lt3A_52 = arith.constant 10 : i32
    %lt3A_53 = arith.cmpi slt, %arg1, %lt3A_52 : i32
    %convert_element_type3A_54 = arith.extui %lt3A_53 : i1 to i32
    %cond3A_55 = arith.constant 0 : i32
    %cond3A_56 = arith.cmpi ne, %convert_element_type3A_54, %cond3A_55 : i32
    scf.if %cond3A_56 {
      %scan3A_57 = arith.constant 0 : i32
      %scan3A_58 = arith.constant 5 : i32
      %scan3A_59 = arith.addi %scan3A_57, %scan3A_58 : i32
      %scan3A_60 = arith.constant 1 : i32
      scf.for %scan3A_65 = %scan3A_57 to %scan3A_59 step %scan3A_60  : i32 {
        %mul3A_66 = arith.constant 1 : i32
        %mul3A_67 = arith.muli %scan3A_65, %mul3A_66 : i32
        %add3A_68 = arith.constant 0 : i32
        %add3A_69 = arith.addi %add3A_68, %mul3A_67 : i32
        %mul3A_70 = arith.constant 200 : i32
        %mul3A_71 = arith.muli %add3A_69, %mul3A_70 : i32
        %add3A_72 = arith.addi %mul3A_39, %mul3A_71 : i32
        "tpu.region"() ({
          %run_scoped3A = tpu.sem_alloc : memref<!tpu.dma_semaphore, #tpu.memory_space<semaphore_mem>>
          %dma_start3A = arith.constant 0 : i32
          %dma_start3A_73 = tpu.memref_slice %arg13[%add3A_72, %dma_start3A] : memref<10000x128xf32, #tpu.memory_space<vmem_shared>> -> memref<200x128xf32, #tpu.memory_space<vmem_shared>>
          %dma_start3A_74 = arith.constant 0 : i32
          %dma_start3A_75 = tpu.memref_slice %arg13[%add3A_72, %dma_start3A_74] : memref<10000x128xf32, #tpu.memory_space<vmem_shared>> -> memref<200x128xf32, #tpu.memory_space<vmem_shared>>
          tpu.enqueue_dma source(%dma_start3A_75 : memref<200x128xf32, #tpu.memory_space<vmem_shared>>) target(%arg11 : memref<200x128xf32, #tpu.memory_space<vmem>>) target_semaphore(%run_scoped3A : memref<!tpu.dma_semaphore, #tpu.memory_space<semaphore_mem>>)
          %dma_wait3A = arith.constant 0 : i32
          %dma_wait3A_76 = tpu.memref_slice %arg13[%add3A_72, %dma_wait3A] : memref<10000x128xf32, #tpu.memory_space<vmem_shared>> -> memref<200x128xf32, #tpu.memory_space<vmem_shared>>
          %dma_wait3A_77 = arith.constant 0 : i32
          %dma_wait3A_78 = tpu.memref_slice %arg13[%add3A_72, %dma_wait3A_77] : memref<10000x128xf32, #tpu.memory_space<vmem_shared>> -> memref<200x128xf32, #tpu.memory_space<vmem_shared>>
          tpu.wait_dma2 semaphore(%run_scoped3A : memref<!tpu.dma_semaphore, #tpu.memory_space<semaphore_mem>>) src(%dma_wait3A_78 : memref<200x128xf32, #tpu.memory_space<vmem_shared>>) dst(%arg11 : memref<200x128xf32, #tpu.memory_space<vmem>>)
          tpu.yield
        }) : () -> ()
        "tpu.region"() ({
          %run_scoped3A = tpu.sem_alloc : memref<!tpu.dma_semaphore, #tpu.memory_space<semaphore_mem>>
          %dma_start3A = arith.constant 0 : i32
          %dma_start3A_73 = tpu.memref_slice %arg5[%arg0, %add3A_72, %dma_start3A] : memref<2x10000x128xf32, #tpu.memory_space<hbm>> -> memref<1x200x128xf32, #tpu.memory_space<hbm>>
          %dma_start3A_74 = tpu.memref_squeeze %dma_start3A_73 : memref<1x200x128xf32, #tpu.memory_space<hbm>> -> memref<200x128xf32, #tpu.memory_space<hbm>>
          %dma_start3A_75 = arith.constant 0 : i32
          %dma_start3A_76 = tpu.memref_slice %arg5[%arg0, %add3A_72, %dma_start3A_75] : memref<2x10000x128xf32, #tpu.memory_space<hbm>> -> memref<1x200x128xf32, #tpu.memory_space<hbm>>
          %dma_start3A_77 = tpu.memref_squeeze %dma_start3A_76 : memref<1x200x128xf32, #tpu.memory_space<hbm>> -> memref<200x128xf32, #tpu.memory_space<hbm>>
          tpu.enqueue_dma source(%arg11 : memref<200x128xf32, #tpu.memory_space<vmem>>) target(%dma_start3A_77 : memref<200x128xf32, #tpu.memory_space<hbm>>) target_semaphore(%run_scoped3A : memref<!tpu.dma_semaphore, #tpu.memory_space<semaphore_mem>>)
          %dma_wait3A = arith.constant 0 : i32
          %dma_wait3A_78 = tpu.memref_slice %arg5[%arg0, %add3A_72, %dma_wait3A] : memref<2x10000x128xf32, #tpu.memory_space<hbm>> -> memref<1x200x128xf32, #tpu.memory_space<hbm>>
          %dma_wait3A_79 = tpu.memref_squeeze %dma_wait3A_78 : memref<1x200x128xf32, #tpu.memory_space<hbm>> -> memref<200x128xf32, #tpu.memory_space<hbm>>
          %dma_wait3A_80 = arith.constant 0 : i32
          %dma_wait3A_81 = tpu.memref_slice %arg5[%arg0, %add3A_72, %dma_wait3A_80] : memref<2x10000x128xf32, #tpu.memory_space<hbm>> -> memref<1x200x128xf32, #tpu.memory_space<hbm>>
          %dma_wait3A_82 = tpu.memref_squeeze %dma_wait3A_81 : memref<1x200x128xf32, #tpu.memory_space<hbm>> -> memref<200x128xf32, #tpu.memory_space<hbm>>
          tpu.wait_dma2 semaphore(%run_scoped3A : memref<!tpu.dma_semaphore, #tpu.memory_space<semaphore_mem>>) src(%arg11 : memref<200x128xf32, #tpu.memory_space<vmem>>) dst(%dma_wait3A_82 : memref<200x128xf32, #tpu.memory_space<hbm>>)
          tpu.yield
        }) : () -> ()
      }
      %scan3A_61 = arith.constant 5 : i32
      "tpu.region"() ({
        %run_scoped3A = tpu.sem_alloc : memref<!tpu.dma_semaphore, #tpu.memory_space<semaphore_mem>>
        %dma_start3A = tpu.memref_slice %arg14[%mul3A_39] : memref<10000xf32, #tpu.memory_space<vmem_shared>> -> memref<1000xf32, #tpu.memory_space<vmem_shared>>
        %dma_start3A_65 = tpu.memref_slice %arg14[%mul3A_39] : memref<10000xf32, #tpu.memory_space<vmem_shared>> -> memref<1000xf32, #tpu.memory_space<vmem_shared>>
        tpu.enqueue_dma source(%dma_start3A_65 : memref<1000xf32, #tpu.memory_space<vmem_shared>>) target(%arg12 : memref<1000xf32, #tpu.memory_space<vmem>>) target_semaphore(%run_scoped3A : memref<!tpu.dma_semaphore, #tpu.memory_space<semaphore_mem>>)
        %dma_wait3A = tpu.memref_slice %arg14[%mul3A_39] : memref<10000xf32, #tpu.memory_space<vmem_shared>> -> memref<1000xf32, #tpu.memory_space<vmem_shared>>
        %dma_wait3A_66 = tpu.memref_slice %arg14[%mul3A_39] : memref<10000xf32, #tpu.memory_space<vmem_shared>> -> memref<1000xf32, #tpu.memory_space<vmem_shared>>
        tpu.wait_dma2 semaphore(%run_scoped3A : memref<!tpu.dma_semaphore, #tpu.memory_space<semaphore_mem>>) src(%dma_wait3A_66 : memref<1000xf32, #tpu.memory_space<vmem_shared>>) dst(%arg12 : memref<1000xf32, #tpu.memory_space<vmem>>)
        tpu.yield
      }) : () -> ()
      %mul3A_62 = arith.constant 10000 : i32
      %mul3A_63 = arith.muli %arg0, %mul3A_62 : i32
      %add3A_64 = arith.addi %mul3A_63, %mul3A_39 : i32
      "tpu.region"() ({
        %run_scoped3A = tpu.sem_alloc : memref<!tpu.dma_semaphore, #tpu.memory_space<semaphore_mem>>
        %dma_start3A = tpu.memref_slice %arg6[%add3A_64] : memref<20000xf32, #tpu.memory_space<hbm>> -> memref<1000xf32, #tpu.memory_space<hbm>>
        %dma_start3A_65 = tpu.memref_slice %arg6[%add3A_64] : memref<20000xf32, #tpu.memory_space<hbm>> -> memref<1000xf32, #tpu.memory_space<hbm>>
        tpu.enqueue_dma source(%arg12 : memref<1000xf32, #tpu.memory_space<vmem>>) target(%dma_start3A_65 : memref<1000xf32, #tpu.memory_space<hbm>>) target_semaphore(%run_scoped3A : memref<!tpu.dma_semaphore, #tpu.memory_space<semaphore_mem>>)
        %dma_wait3A = tpu.memref_slice %arg6[%add3A_64] : memref<20000xf32, #tpu.memory_space<hbm>> -> memref<1000xf32, #tpu.memory_space<hbm>>
        %dma_wait3A_66 = tpu.memref_slice %arg6[%add3A_64] : memref<20000xf32, #tpu.memory_space<hbm>> -> memref<1000xf32, #tpu.memory_space<hbm>>
        tpu.wait_dma2 semaphore(%run_scoped3A : memref<!tpu.dma_semaphore, #tpu.memory_space<semaphore_mem>>) src(%arg12 : memref<1000xf32, #tpu.memory_space<vmem>>) dst(%dma_wait3A_66 : memref<1000xf32, #tpu.memory_space<hbm>>)
        tpu.yield
      }) : () -> ()
    } else {
    }
    return
  }
}

module attributes {stable_mosaic.version = 14 : i64} {
  func.func @_tc_body(%arg0: i32, %arg1: memref<1000x128xf32, #tpu.memory_space<vmem>>, %arg2: memref<2x1000x128xf32, #tpu.memory_space<vmem>>, %arg3: memref<2x1000x1xf32, #tpu.memory_space<vmem>>, %arg4: memref<128x128xf32, #tpu.memory_space<vmem>>, %arg5: memref<128x128xf32, #tpu.memory_space<vmem>>, %arg6: memref<1x128xf32, #tpu.memory_space<vmem>>, %arg7: memref<1000x128xf32, #tpu.memory_space<vmem>>) attributes {dimension_semantics = [#tpu.dimension_semantics<arbitrary>], iteration_bounds = array<i64: 10>, scalar_prefetch = 0 : i64, scratch_operands = 0 : i64, tpu.core_type = #tpu.core_type<tc>, window_params = [{transform_indices = @transform_0, window_bounds = array<i64: 1000, 128>}, {transform_indices = @transform_1, window_bounds = array<i64: 2, 1000, 128>}, {transform_indices = @transform_2, window_bounds = array<i64: 2, 1000, 1>}, {pipeline_mode = #tpu.pipeline_mode<synchronous>, transform_indices = @transform_3, window_bounds = array<i64: 128, 128>}, {pipeline_mode = #tpu.pipeline_mode<synchronous>, transform_indices = @transform_4, window_bounds = array<i64: 128, 128>}, {pipeline_mode = #tpu.pipeline_mode<synchronous>, transform_indices = @transform_5, window_bounds = array<i64: 1, 128>}, {transform_indices = @transform_6, window_bounds = array<i64: 1000, 128>}]} {
    %get3A = arith.constant 0 : index
    %get3A_0 = arith.constant 0 : index
    %get3A_1 = vector.load %arg1[%get3A, %get3A_0] : memref<1000x128xf32, #tpu.memory_space<vmem>>, vector<1000x128xf32>
    %get3A_2 = arith.constant 0 : index
    %get3A_3 = arith.constant 0 : index
    %get3A_4 = arith.constant 0 : index
    %get3A_5 = vector.load %arg2[%get3A_2, %get3A_3, %get3A_4] : memref<2x1000x128xf32, #tpu.memory_space<vmem>>, vector<1x1000x128xf32>
    %get3A_6 = vector.shape_cast %get3A_5 : vector<1x1000x128xf32> to vector<1000x128xf32>
    %get3A_7 = arith.constant 1 : index
    %get3A_8 = arith.constant 0 : index
    %get3A_9 = arith.constant 0 : index
    %get3A_10 = vector.load %arg2[%get3A_7, %get3A_8, %get3A_9] : memref<2x1000x128xf32, #tpu.memory_space<vmem>>, vector<1x1000x128xf32>
    %get3A_11 = vector.shape_cast %get3A_10 : vector<1x1000x128xf32> to vector<1000x128xf32>
    %add3A = arith.addf %get3A_6, %get3A_11 : vector<1000x128xf32>
    %get3A_12 = arith.constant 0 : index
    %get3A_13 = arith.constant 0 : index
    %get3A_14 = arith.constant 0 : index
    %get3A_15 = vector.load %arg3[%get3A_12, %get3A_13, %get3A_14] : memref<2x1000x1xf32, #tpu.memory_space<vmem>>, vector<1x1000x1xf32>
    %get3A_16 = vector.shape_cast %get3A_15 : vector<1x1000x1xf32> to vector<1000x1xf32>
    %get3A_17 = arith.constant 1 : index
    %get3A_18 = arith.constant 0 : index
    %get3A_19 = arith.constant 0 : index
    %get3A_20 = vector.load %arg3[%get3A_17, %get3A_18, %get3A_19] : memref<2x1000x1xf32, #tpu.memory_space<vmem>>, vector<1x1000x1xf32>
    %get3A_21 = vector.shape_cast %get3A_20 : vector<1x1000x1xf32> to vector<1000x1xf32>
    %add3A_22 = arith.addf %get3A_16, %get3A_21 : vector<1000x1xf32>
    %mul3A = vector.broadcast %add3A_22 : vector<1000x1xf32> to vector<1000x128xf32>
    %mul3A_23 = arith.mulf %mul3A, %get3A_1 : vector<1000x128xf32>
    %add3A_24 = arith.addf %add3A, %mul3A_23 : vector<1000x128xf32>
    %max3A = arith.constant 1.000000e+00 : f32
    %max3A_25 = vector.broadcast %max3A : f32 to vector<1000x1xf32>
    %max3A_26 = arith.maximumf %add3A_22, %max3A_25 : vector<1000x1xf32>
    %div3A = vector.broadcast %max3A_26 : vector<1000x1xf32> to vector<1000x128xf32>
    %div3A_27 = arith.divf %add3A_24, %div3A : vector<1000x128xf32>
    %get3A_28 = arith.constant 0 : index
    %get3A_29 = arith.constant 0 : index
    %get3A_30 = vector.load %arg4[%get3A_28, %get3A_29] : memref<128x128xf32, #tpu.memory_space<vmem>>, vector<128x128xf32>
    %dot_general3A = arith.constant dense<0.000000e+00> : vector<1000x128xf32>
    %dot_general3A_31 = tpu.matmul %get3A_1, %get3A_30, %dot_general3A {dimension_numbers = #tpu.dot_dimension_numbers<[1], [0], [0], [1], [0, 0, 1, 1], [], []>, transpose_lhs_hint = false} : vector<1000x128xf32>, vector<128x128xf32>, vector<1000x128xf32> -> vector<1000x128xf32>
    %get3A_32 = arith.constant 0 : index
    %get3A_33 = arith.constant 0 : index
    %get3A_34 = vector.load %arg5[%get3A_32, %get3A_33] : memref<128x128xf32, #tpu.memory_space<vmem>>, vector<128x128xf32>
    %dot_general3A_35 = arith.constant dense<0.000000e+00> : vector<1000x128xf32>
    %dot_general3A_36 = tpu.matmul %div3A_27, %get3A_34, %dot_general3A_35 {dimension_numbers = #tpu.dot_dimension_numbers<[1], [0], [0], [1], [0, 0, 1, 1], [], []>, transpose_lhs_hint = false} : vector<1000x128xf32>, vector<128x128xf32>, vector<1000x128xf32> -> vector<1000x128xf32>
    %add3A_37 = arith.addf %dot_general3A_31, %dot_general3A_36 : vector<1000x128xf32>
    %get3A_38 = arith.constant 0 : index
    %get3A_39 = arith.constant 0 : index
    %get3A_40 = vector.load %arg6[%get3A_38, %get3A_39] : memref<1x128xf32, #tpu.memory_space<vmem>>, vector<1x128xf32>
    %add3A_41 = vector.broadcast %get3A_40 : vector<1x128xf32> to vector<1000x128xf32>
    %add3A_42 = arith.addf %add3A_37, %add3A_41 : vector<1000x128xf32>
    %swap3A = arith.constant 0 : index
    %swap3A_43 = arith.constant 0 : index
    %swap3A_44 = vector.load %arg7[%swap3A, %swap3A_43] : memref<1000x128xf32, #tpu.memory_space<vmem>>, vector<1000x128xf32>
    tpu.vector_store %arg7[%swap3A, %swap3A_43], %add3A_42 {strides = array<i32>} : memref<1000x128xf32, #tpu.memory_space<vmem>>, vector<1000x128xf32>,
    return
  }
  func.func @transform_0(%arg0: i32) -> (i32, i32) {
    %c0_i32 = arith.constant 0 : i32
    %c0_i32_0 = arith.constant 0 : i32
    return %arg0, %c0_i32 : i32, i32
  }
  func.func @transform_1(%arg0: i32) -> (i32, i32, i32) {
    %c0_i32 = arith.constant 0 : i32
    %c0_i32_0 = arith.constant 0 : i32
    %c0_i32_1 = arith.constant 0 : i32
    return %c0_i32, %arg0, %c0_i32_0 : i32, i32, i32
  }
  func.func @transform_2(%arg0: i32) -> (i32, i32, i32) {
    %c0_i32 = arith.constant 0 : i32
    %c0_i32_0 = arith.constant 0 : i32
    %c0_i32_1 = arith.constant 0 : i32
    return %c0_i32, %arg0, %c0_i32_0 : i32, i32, i32
  }
  func.func @transform_3(%arg0: i32) -> (i32, i32) {
    %c0_i32 = arith.constant 0 : i32
    %c0_i32_0 = arith.constant 0 : i32
    %c0_i32_1 = arith.constant 0 : i32
    return %c0_i32, %c0_i32_0 : i32, i32
  }
  func.func @transform_4(%arg0: i32) -> (i32, i32) {
    %c0_i32 = arith.constant 0 : i32
    %c0_i32_0 = arith.constant 0 : i32
    %c0_i32_1 = arith.constant 0 : i32
    return %c0_i32, %c0_i32_0 : i32, i32
  }
  func.func @transform_5(%arg0: i32) -> (i32, i32) {
    %c0_i32 = arith.constant 0 : i32
    %c0_i32_0 = arith.constant 0 : i32
    %c0_i32_1 = arith.constant 0 : i32
    return %c0_i32, %c0_i32_0 : i32, i32
  }
  func.func @transform_6(%arg0: i32) -> (i32, i32) {
    %c0_i32 = arith.constant 0 : i32
    %c0_i32_0 = arith.constant 0 : i32
    return %arg0, %c0_i32 : i32, i32
  }
}

</mosaic_0001>

<sc_bundles>
// kernel: kernel.4.cloned.1.call-start
scs
__scs_entry_jumppad:
0x0: {  	(pc) =	sbr.rel $0x88, $3  }
0x1: {  	(tag) =	ssettag $0x0;
	lr =	simm.s32 $0x1  }
0x2: {  	[smem:$0x3F9D] =	sst lr;
	_ =	strace $0xD0000000  }
0x3: {  	_ = 	snop  }
0x4: {  	_ = 	snop  }
0x5: {  	_ = 	snop  }
0x6: {  	_ = 	snop  }
0x7: {  	_ = 	snop  }
__scs_overlays_trampoline_lowered:
0x8: {  	[smem:$0x3FAC] =	sst s0  }
0x9: {  	[smem:$0x3FAD] =	sst s1  }
0xa: {  	[smem:$0x3FAE] =	sst s2  }
0xb: {  	[smem:$0x3FAF] =	sst s3  }
0xc: {  	[smem:$0x3FB0] =	sst s4  }
0xd: {  	[smem:$0x3FB1] =	sst s5  }
0xe: {  	[smem:$0x3FB2] =	sst s6  }
0xf: {  	[smem:$0x3FB3] =	sst s7  }
0x10: {  	[smem:$0x3FB4] =	sst s8  }
0x11: {  	[smem:$0x3FB5] =	sst s9;
	s0 =	simm.s32 @!p0 $0x0  }
0x12: {  	s1 =	sld [smem:$0x3F9B];
	s0 =	simm.s32 @p0 $0x1  }
0x13: {  	[smem:$0x3FB6] =	sst s0;
	s0 =	simm.s32 @!p1 $0x0  }
0x14: {  	s2 =	sld [smem:$0x3F9A];
	s0 =	simm.s32 @p1 $0x1  }
0x15: {  	[smem:$0x3FB7] =	sst s0;
	s0 =	simm.s32 @!p2 $0x0  }
0x16: {  	s3 =	sld [smem:$0x3FDB];
	s0 =	simm.s32 @p2 $0x1  }
0x17: {  	s4 =	simm.s32 $0x1BF5;
	[smem:$0x3FB9] =	sst s0  }
0x18: {  	s0 =	sld [smem:$0x3F9C];
	_ =	swait.ge [sflag:s4], $0x0  }
0x19: {  	s7 =	sld [smem:$0x3F9D]  }
0x1a: {  	s8 =	sadd.s32 $0xFFFFE003, lr  }
0x1b: {  	s9 =	sadd.s32 $0xFFFFFEF7, lr;
	s5 =	simm.s32 $0xFFFFFFFF;
	p2 =	slt.u32 s8, $0xFFFFF086  }
0x1c: {  	p1 =	slt.u32 s9, $0xF7A;
	s5 =	simm.s32 @!p2 $0x0  }
0x1d: {  	s5 =	simm.s32 @p1 $0x1;
	p0 =	seq.s32 s7, s2  }
0x1e: {  	s7 =	smul.u32 @!p0 $0xF7A, s2;
	p2 =	seq.s32 @!p0 s5, $0x0  }
0x1f: {  	s9 =	smul.u32 $0xF7A, s1;
	s8 =	simm.s32 @!p0 $0x1BF5;
	p2 =	por !p2, p0  }
0x20: {  	[sflag:s8] =	ssyncset.s32 @!p0 $0xFFFFF086;
	s6 =	sadd.s32 @!p0 s3, s7;
	s7 =	simm.s32 @!p0 $0x108  }
0x21: {  	s3 =	sadd.s32 s3, s9;
	s6 =	sadd.s32 @!p0 $0x88, s6;
	s7 =	simm.s32 @p2 $0x1082  }
0x22: {  	[simem:s7], [sflag:s8] =	dma.local @!p0 [hbm:s6], $0xF7A  }
0x23: {  	s9 =	sor.u32 $0xD0000000, s2;
	s6 =	simm.s32 $0x108;
	_ =	swait.ge @!p0 [sflag:s8], $0x0  }
0x24: {  	s3 =	sadd.s32 $0x88, s3;
	s6 =	simm.s32 @!p1 $0x1082;
	[sflag:s4] =	ssyncset.s32 $0xFFFFF086  }
0x25: {  	[simem:s6], [sflag:s4] =	dma.local [hbm:s3], $0xF7A  }
0x26: {  	[smem:$0x3F9D] =	sst s1;
	(tag) =	ssettag s2;
	_ =	strace s9  }
0x27: {  	s1 =	sld [smem:$0x3FAD]  }
0x28: {  	s2 =	sld [smem:$0x3FAE]  }
0x29: {  	s4 =	sld [smem:$0x3FB0]  }
0x2a: {  	p0 =	seq.s32 s5, $0x0;
	s5 =	sld [smem:$0x3FB1]  }
0x2b: {  	s6 =	sld [smem:$0x3FB2]  }
0x2c: {  	s7 =	sld [smem:$0x3FB3]  }
0x2d: {  	s3 =	simm.s32 $0x108;
	s8 =	sld [smem:$0x3FB4]  }
0x2e: {  	s3 =	simm.s32 @!p0 $0x1082;
	s9 =	sld [smem:$0x3FB5]  }
0x2f: {  	lr =	sadd.s32 s0, s3;
	s0 =	sld [smem:$0x3FAC]  }
0x30: {  	s3 =	sld [smem:$0x3FAF]  }
0x31: {  	[smem:$0x3FB8] =	sst s10  }
0x32: {  	s10 =	sld [smem:$0x3FB6];
	_ =	sdelay $0x3  }
0x33: {  	p0 =	seq.s32 s10, $0x1;
	s10 =	sld [smem:$0x3FB8];
	_ =	sdelay $0x3  }
0x34: {  	[smem:$0x3FB8] =	sst s10  }
0x35: {  	s10 =	sld [smem:$0x3FB7];
	_ =	sdelay $0x3  }
0x36: {  	p1 =	seq.s32 s10, $0x1;
	s10 =	sld [smem:$0x3FB8];
	_ =	sdelay $0x3  }
0x37: {  	[smem:$0x3FB8] =	sst s10  }
0x38: {  	s10 =	sld [smem:$0x3FB9]  }
0x39: {  	_ = 	snop;
	(pc) =	sbr.ind lr, $3  }
0x3a: {  	_ = 	snop  }
0x3b: {  	_ = 	snop  }
0x3c: {  	p2 =	seq.s32 s10, $0x1;
	s10 =	sld [smem:$0x3FB8]  }
0x3d: {  	_ =	shalt  }
0x3e: {  	_ =	shalt  }
0x3f: {  	_ =	shalt  }
0x40: {  	_ =	shalt  }
0x41: {  	_ =	shalt  }
0x42: {  	_ =	shalt  }
0x43: {  	_ =	shalt  }
0x44: {  	_ =	shalt  }
0x45: {  	_ =	shalt  }
0x46: {  	_ =	shalt  }
0x47: {  	_ =	shalt  }
0x48: {  	_ =	shalt  }
0x49: {  	_ =	shalt  }
0x4a: {  	_ =	shalt  }
0x4b: {  	_ =	shalt  }
0x4c: {  	_ =	shalt  }
0x4d: {  	_ =	shalt  }
0x4e: {  	_ =	shalt  }
0x4f: {  	_ =	shalt  }
0x50: {  	_ =	shalt  }
0x51: {  	_ =	shalt  }
0x52: {  	_ =	shalt  }
0x53: {  	_ =	shalt  }
0x54: {  	_ =	shalt  }
0x55: {  	_ =	shalt  }
0x56: {  	_ =	shalt  }
0x57: {  	_ =	shalt  }
0x58: {  	_ =	shalt  }
0x59: {  	_ =	shalt  }
0x5a: {  	_ =	shalt  }
0x5b: {  	_ =	shalt  }
0x5c: {  	_ =	shalt  }
0x5d: {  	_ =	shalt  }
0x5e: {  	_ =	shalt  }
0x5f: {  	_ =	shalt  }
0x60: {  	_ =	shalt  }
0x61: {  	_ =	shalt  }
0x62: {  	_ =	shalt  }
0x63: {  	_ =	shalt  }
0x64: {  	_ =	shalt  }
0x65: {  	_ =	shalt  }
0x66: {  	_ =	shalt  }
0x67: {  	_ =	shalt  }
0x68: {  	_ =	shalt  }
0x69: {  	_ =	shalt  }
0x6a: {  	_ =	shalt  }
0x6b: {  	_ =	shalt  }
0x6c: {  	_ =	shalt  }
0x6d: {  	_ =	shalt  }
0x6e: {  	_ =	shalt  }
0x6f: {  	_ =	shalt  }
0x70: {  	_ =	shalt  }
0x71: {  	_ =	shalt  }
0x72: {  	_ =	shalt  }
0x73: {  	_ =	shalt  }
0x74: {  	_ =	shalt  }
0x75: {  	_ =	shalt  }
0x76: {  	_ =	shalt  }
0x77: {  	_ =	shalt  }
0x78: {  	_ =	shalt  }
0x79: {  	_ =	shalt  }
0x7a: {  	_ =	shalt  }
0x7b: {  	_ =	shalt  }
0x7c: {  	_ =	shalt  }
0x7d: {  	_ =	shalt  }
0x7e: {  	_ =	shalt  }
0x7f: {  	_ =	shalt  }
0x80: {  	_ =	shalt  }
0x81: {  	_ =	shalt  }
0x82: {  	_ =	shalt  }
0x83: {  	_ =	shalt  }
0x84: {  	_ =	shalt  }
0x85: {  	_ =	shalt  }
0x86: {  	_ =	shalt  }
0x87: {  	_ =	shalt  }
.Lfunc_end0:
.L_simem_size_0:
called_computation_lowered:
.L_overlay_start_0:
0x88: {  	s2 =	sld [smem:$0x3FD9]  }
0x89: {  	s3 =	sld [smem:$0x3FFE];
	_ =	sdelay $0x1  }
0x8a: {  	s1 =	srdreg.scid  }
0x8b: {  	s0 =	sand.u32 $0x1, s1  }
0x8c: {  	s17 =	sshll.u32 s0, $0xA;
	s2 =	sadd.s32 s3, s2  }
0x8d: {  	s2 =	sadd.s32 s2, s17  }
0x8e: {  	[smem:$0x3FC4] =	sst s2  }
0x8f: {  	_ = 	snop  }
0x90: {  	s2 =	sld [smem:$0x3FC9]  }
0x91: {  	s18 =	sld [smem:$0x3FD0];
	(tm) =	ssettm $0x1  }
0x92: {  	s4 =	sld [smem:$0x3FFB];
	_ =	sdelay $0x3  }
0x93: {  	_ =	strace s4  }
0x94: {  	s4 =	sld [smem:$0x3FFC];
	_ =	sdelay $0x3  }
0x95: {  	_ =	strace s4  }
0x96: {  	s4 =	sld [smem:$0x3FFD];
	_ =	sdelay $0x3  }
0x97: {  	_ =	strace s4  }
0x98: {  	_ =	strace $0x8FFFFFFF  }
0x99: {  	s19 =	sld [smem:$0x3FDB];
	_ =	sdelay $0x1  }
0x9a: {  	s5 =	simm.s32 $_scs_section_size  }
0x9b: {  	s6 =	simm.s32 $_size__tile_overlayer_lowered;
	s7 =	simm.s32 $_tile_overlayer_lowered  }
0x9c: {  	s22 =	simm.s32 $0x1BFF;
	s21 =	sshll.u32 s7, $0x1;
	s4 =	sadd.s32 s5, s19  }
0x9d: {  	s8 =	simm.s32 $0x0;
	s20 =	sshll.u32 s6, $0x1;
	s6 =	sadd.s32 s21, s4  }
0x9e: {  	[timem:s8], [sflag:s22] =	dma.local [hbm:s6], s20  }
0x9f: {  	_ =	swait.ge [sflag:s22], s20  }
0xa0: {  	s5 =	ssub.s32 $0x0, s20;
	[sflag:s22] =	ssyncset.done $0x0  }
0xa1: {  	[sflag:s22] =	ssyncadd.s32 s5;
	_ =	sdelay $0x1  }
0xa2: {  	s23 =	simm.s32 $0x1B8B  }
0xa3: {  	_ =	swait.ge [sflag:s23], $0x1  }
0xa4: {  	[sflag:s23] =	ssyncset.done $0x0  }
0xa5: {  	s25 =	simm.s32 $0x1B8E;
	s24 =	sld [smem:$0x3FFE];
	[sflag:s23] =	ssyncadd.s32 $0xFFFFFFFF  }
0xa6: {  	s26 =	simm.s32 $execute0_lowered;
	[smem:$0x3FD2] =	sst s25  }
0xa7: {  	s6 =	sshll.u32 s26, $0x1;
	_ =	strace $0x80000046;
	[dreg:$0x1] =	wrdreg $0xFFFFFFFF  }
0xa8: {  	s28 =	simm.s32 $_size_execute0_lowered;
	s4 =	sadd.s32 s4, s6;
	[dreg:$0x0] =	wrdreg $0x0  }
0xa9: {  	s6 =	sshll.u32 s28, $0x1;
	[dreg:$0x2] =	wrdreg s4  }
0xaa: {  	[dreg:$0x3] =	wrdreg s6  }
0xab: {  	[dreg:$0x4] =	wrdreg $0xC0  }
0xac: {  	_ =	task [dreg:s8], $0x5FFFF  }
0xad: {  	[dreg:$0x1] =	wrdreg $0xFFFFFFFF  }
0xae: {  	[dreg:$0x0] =	wrdreg $0x60  }
0xaf: {  	[dreg:$0x2] =	wrdreg s24  }
0xb0: {  	[dreg:$0x3] =	wrdreg s18  }
0xb1: {  	[dreg:$0x4] =	wrdreg s2  }
0xb2: {  	[dreg:$0x5] =	wrdreg $0x91800  }
0xb3: {  	[dreg:$0x6] =	wrdreg $0x1CA000  }
0xb4: {  	[dreg:$0x7] =	wrdreg $0x9  }
0xb5: {  	_ =	task.clear_ibuf [dreg:s8], $0x8FFFF;
	_ =	strace $0x90000046  }
0xb6: {  	s29 =	simm.s32 $0x9;
	_ =	strace $0x80000048  }
0xb7: {  	_ =	swait.ge [sflag:s29], $0x1  }
0xb8: {  	[sflag:s29] =	ssyncadd.s32 $0xFFFFFFFF  }
0xb9: {  	_ =	strace $0x90000048  }
0xba: {  	_ =	sfence  }
0xbb: {  	s30 =	sld [smem:$0x0];
	_ =	sdelay $0x2  }
0xbc: {  	s31 =	sshll.u32 s1, $0xD;
	s1 =	sshrl.u32 s1, $0x2  }
0xbd: {  	s3 =	sand.u32 $0x4000, s31;
	s1 =	sadd.s32 s1, s30  }
0xbe: {  	s0 =	sor.u32 s3, s0;
	s1 =	sshll.u32 s1, $0x11  }
0xbf: {  	s0 =	sor.u32 s1, s0  }
0xc0: {  	s0 =	sadd.s32 $0x8F2B, s0  }
0xc1: {  	[sflag:s0] =	ssyncadd.remote.s32 $0x1  }
0xc2: {  	_ =	sfence.sel $0xFFFF  }
0xc3: {  	[dreg:$0x0] =	wrdreg $0xFFFFFFFF;
	(pc) =	sbr.abs _section_cstart, $3  }
0xc4: {  	[dreg:$0x1] =	wrdreg $0xFFFFFFFF  }
0xc5: {  	_ =	task.clear_ibuf [dreg:s8], $0x2FFFF;
	_ =	strace $0x9FFFFFFF  }
0xc6: {  	(tm) =	ssettm $0x7FFFFFFF  }
0xc7: {  	_ =	shalt  }
tec
execute0_lowered:
.L_overlay_start_1:
0x0: {  	(tag) =	ssettag $0x1  }
0x1: {  	s0 =	rddreg [dreg:$0x0]  }
0x2: {  	s2 =	rddreg [dreg:$0x1]  }
0x3: {  	s1 =	rddreg [dreg:$0x2];
	s4 =	srdreg.scid  }
0x4: {  	s3 =	rddreg [dreg:$0x3];
	s25 =	stileid.u32  }
0x5: {  	s5 =	simm.s32 $0x0;
	s28 =	simm.s32 $0x50;
	s8 =	smul.u32 $0x2710, s25  }
0x6: {  	s29 =	simm.s32 $0x100;
	s30 =	simm.s32 $0x1;
	s9 =	smul.u32 $0x3E8, s25  }
0x7: {  	s7 =	sand.u32 $0x1, s4;
	s4 =	rddreg [dreg:$0x4];
	s22 =	smul.u32 $0x7D000, s25  }
0x8: {  	s31 =	simm.s32 $0x2900;
	[smem:$0x7FF] =	sst s5;
	s11 =	smul.u32 $0x1F400, s25  }
0x9: {  	s17 =	sadd.s32 $0xB800, s0;
	p0 =	sgt.u32 s25, $0x9;
	s6 =	smul.u32 $0x27100, s7  }
0xa: {  	s25 =	simm.s32 $0x2;
	s19 =	smul.u32 $0x2710, s7;
	s21 =	ssub.s32 $0x2, s7  }
0xb: {  	_ =	strace $0x80000047;
	s7 =	smul.u32 $0x138800, s7;
	s10 =	sshrl.u32 s21, $0x1  }
0xc: {  	s26 =	sshrl.u32 s22, $0x2;
	s15 =	sshll.u32 s9, $0x7;
	s6 =	sadd.s32 s8, s6  }
0xd: {  	s20 =	sadd.s32 s9, s19;
	s8 =	ssub.s32 s21, s10;
	s10 =	sadd.s32 $0x6400, s15  }
0xe: {  	s12 =	sadd.s32 s7, s11;
	s21 =	sadd.s32 $0x12C00, s15;
	s22 =	sadd.s32 $0x19000, s15  }
0xf: {  	s23 =	sshrl.u32 s6, $0x3;
	s6 =	sshrl.u32 s20, $0x3;
	s8 =	smax.u32 s8, $0x1  }
0x10: {  	s13 =	sadd.s32 s7, s10;
	s14 =	sshrl.u32 s12, $0x3;
	s20 =	sadd.s32 $0xC800, s15  }
0x11: {  	s24 =	sadd.s32 s23, s0;
	s0 =	sadd.s32 s6, s0;
	s6 =	sadd.s32 s9, s4  }
0x12: {  	[dreg:$0x7] =	wrdreg s8;
	s9 =	sadd.s32 s26, s3;
	s19 =	sadd.s32 s7, s20  }
0x13: {  	s26 =	sadd.s32 s7, s21;
	s7 =	sadd.s32 s7, s22;
	s20 =	sadd.s32 s20, s3  }
0x14: {  	s21 =	sadd.s32 s21, s3;
	s22 =	sadd.s32 s22, s3;
	s23 =	sadd.s32 s23, s2  }
0x15: {  	s2 =	simm.s32 $0x0;
	s0 =	sadd.s32 $0xAE00, s0;
	s16 =	sadd.s32 $0x6400, s9  }
0x16: {  	s18 =	sadd.s32 $0xC800, s9;
	s12 =	sadd.s32 $0x12C00, s9;
	[dreg:$0x6] =	wrdreg s0  }
0x17: {  	s15 =	sshrl.u32 s19, $0x3;
	s7 =	sshrl.u32 s7, $0x3;
	[dreg:$0x8] =	wrdreg s16  }
0x18: {  	s19 =	sadd.s32 s10, s3;
	s24 =	sadd.s32 $0x1000, s24;
	[dreg:$0x9] =	wrdreg s18  }
0x19: {  	s16 =	sshrl.u32 s13, $0x3;
	s13 =	sadd.s32 s17, s14;
	s15 =	sadd.s32 s17, s15  }
0x1a: {  	s18 =	sadd.s32 $0x19000, s9;
	s14 =	sadd.s32 s17, s16;
	s16 =	sshrl.u32 s26, $0x3  }
0x1b: {  	v0 =	vimm.f32 $0.0e+00;
	v1 =	vimm.f32 $1.000000000e+00;
	s26 =	simm.s32 $0x80;
	s16 =	sadd.s32 s17, s16;
	s17 =	sadd.s32 s17, s7  }
.LBB2_1:
0x1c: {  	s0 =	simm.s32 $0x0;
	s7 =	simm.s32 $0x200  }
.LBB2_2:
0x1d: {  	p1 =	sne.s32 s7, $0x18E00;
	[tilespmem:s0+$0x29F0] =	vst v0  }
0x1e: {  	[tilespmem:s0+$0x2980] =	vst v0  }
0x1f: {  	[tilespmem:s0+$0x2990] =	vst v0  }
.Ltmp0:
0x20: {  	[tilespmem:s0+$0x29A0] =	vst v0;
	(pc) =	sbr.rel @p1 .LBB2_2-.Ltmp0, $4  }
0x21: {  	[tilespmem:s0+$0x29B0] =	vst v0  }
0x22: {  	[tilespmem:s0+$0x29C0] =	vst v0  }
0x23: {  	[tilespmem:s0+$0x29D0] =	vst v0  }
0x24: {  	[tilespmem:s0+$0x29E0] =	vst v0;
	s0 =	sshra.s32 s7, $0x2;
	s7 =	sadd.s32 $0x200, s7  }
0x25: {  	[tilespmem:s0+$0x29F0] =	vst v0  }
0x26: {  	[tilespmem:s0+$0x2980] =	vst v0  }
0x27: {  	[tilespmem:s0+$0x2990] =	vst v0  }
0x28: {  	[tilespmem:s0+$0x29A0] =	vst v0  }
0x29: {  	[tilespmem:s0+$0x29B0] =	vst v0  }
0x2a: {  	[tilespmem:s0+$0x29C0] =	vst v0  }
0x2b: {  	[tilespmem:s0+$0x29D0] =	vst v0  }
0x2c: {  	[tilespmem:s0+$0x29E0] =	vst v0;
	s0 =	simm.s32 $0x40;
	s7 =	simm.s32 $0x0  }
.LBB2_4:
0x2d: {  	p1 =	sne.s32 s0, $0xF40;
	[tilespmem:s7+$0x8D80] =	vst v0;
	s7 =	smov.u32 s0;
	s0 =	sadd.s32 $0x40, s0  }
.Ltmp1:
0x2e: {  	(pc) =	sbr.rel @p1 .LBB2_4-.Ltmp1, $2  }
0x2f: {  	_ =	sdelay $0x2  }
0x30: {  	s7 =	sshra.s32 s7, $0x2  }
0x31: {  	[tilespmem:s7+$0x8D80] =	vst v0  }
0x32: {  	[tilespmem:$0x2900] =	vst v1  }
0x33: {  	[tilespmem:$0x2910] =	vst v1  }
0x34: {  	[tilespmem:$0x2920] =	vst v1  }
0x35: {  	[tilespmem:$0x2930] =	vst v1  }
0x36: {  	s0 =	simm.s32 @!p0 $0x2980;
	s7 =	simm.s32 @!p0 $0x2;
	[tilespmem:$0x2940] =	vst v1  }
0x37: {  	[spmem:s9] =	stream.linear.scatter @!p0 [tilespmem:s0], [sflag:$0x2], $0x6400, $0x38;
	[tilespmem:$0x1CC78] =	vst v63  }
0x38: {  	_ =	swait.ge @!p0 [sflag:s7], $0x6400  }
0x39: {  	[sflag:s7] =	ssyncset.done @!p0 $0x0  }
0x3a: {  	s8 =	rddreg [dreg:$0x8];
	[sflag:s7] =	ssyncadd.s32 @!p0 $0xFFFF9C00  }
0x3b: {  	[spmem:s8] =	stream.linear.scatter @!p0 [tilespmem:s0], [sflag:$0x2], $0x6400, $0x38;
	[tilespmem:$0x1CC78] =	vst v63  }
0x3c: {  	_ =	swait.ge @!p0 [sflag:s7], $0x6400  }
0x3d: {  	[sflag:s7] =	ssyncset.done @!p0 $0x0  }
0x3e: {  	s8 =	rddreg [dreg:$0x9];
	[sflag:s7] =	ssyncadd.s32 @!p0 $0xFFFF9C00  }
0x3f: {  	[spmem:s8] =	stream.linear.scatter @!p0 [tilespmem:s0], [sflag:$0x2], $0x6400, $0x38;
	[tilespmem:$0x1CC78] =	vst v63  }
0x40: {  	_ =	swait.ge @!p0 [sflag:s7], $0x6400  }
0x41: {  	[sflag:s7] =	ssyncset.done @!p0 $0x0  }
0x42: {  	[sflag:s7] =	ssyncadd.s32 @!p0 $0xFFFF9C00  }
0x43: {  	[spmem:s12] =	stream.linear.scatter @!p0 [tilespmem:s0], [sflag:$0x2], $0x6400, $0x38;
	[tilespmem:$0x1CC78] =	vst v63  }
0x44: {  	_ =	swait.ge @!p0 [sflag:s7], $0x6400  }
0x45: {  	[sflag:s7] =	ssyncset.done @!p0 $0x0  }
0x46: {  	[sflag:s7] =	ssyncadd.s32 @!p0 $0xFFFF9C00  }
0x47: {  	[spmem:s18] =	stream.linear.scatter @!p0 [tilespmem:s0], [sflag:$0x2], $0x6400, $0x38;
	[tilespmem:$0x1CC78] =	vst v63  }
0x48: {  	_ =	swait.ge @!p0 [sflag:s7], $0x6400  }
0x49: {  	[sflag:s7] =	ssyncset.done @!p0 $0x0  }
0x4a: {  	s0 =	simm.s32 @!p0 $0x8D80;
	[sflag:s7] =	ssyncadd.s32 @!p0 $0xFFFF9C00  }
0x4b: {  	[spmem:s6] =	stream.linear.scatter @!p0 [tilespmem:s0], [sflag:$0x2], $0x3E8, $0x38;
	[tilespmem:$0x1CC78] =	vst v63  }
0x4c: {  	_ =	swait.ge @!p0 [sflag:s7], $0x3E8  }
0x4d: {  	[sflag:s7] =	ssyncset.done @!p0 $0x0  }
0x4e: {  	[sflag:s7] =	ssyncadd.s32 @!p0 $0xFFFFFC18  }
0x4f: {  	s10 =	sadd.s32 $0x0, s24;
	[bflag:$0x0] =	sbarrier.arrive $0xFFFF  }
0x50: {  	[tilespmem:s5], [sflag:$0x2] =	stream.linear.gather [hbm4b:s10+s5], $0x50, $0x38;
	[tilespmem:$0x1CC78] =	vst v63  }
0x51: {  	_ =	swait.ge [sflag:s25], $0x50  }
0x52: {  	[sflag:s25] =	ssyncset.done $0x0  }
0x53: {  	s11 =	sadd.s32 $0x0, s23;
	[sflag:s25] =	ssyncadd.s32 $0xFFFFFFB0  }
0x54: {  	[tilespmem:s26], [sflag:$0x2] =	stream.linear.gather [hbm4b:s11+s5], $0x50, $0x38;
	[tilespmem:$0x1CC78] =	vst v63  }
0x55: {  	_ =	swait.ge [sflag:s25], $0x50  }
0x56: {  	[sflag:s25] =	ssyncset.done $0x0  }
0x57: {  	[sflag:s25] =	ssyncadd.s32 $0xFFFFFFB0  }
0x58: {  	[tilespmem:s29], [sflag:$0x1] =	stream.indirect.gather [hbm4b:s1+s28], $0x80, s5, s28, $0xb8;
	[tilespmem:$0x1CC78] =	vst v63  }
0x59: {  	_ =	swait.ge [sflag:s30], $0x2800  }
0x5a: {  	[sflag:s30] =	ssyncset.done $0x0  }
0x5b: {  	[sflag:s30] =	ssyncadd.s32 $0xFFFFD800  }
0x5c: {  	[spmem:s3] =	stream.indirect.scatter.add.f32 [tilespmem:s29], [sflag:$0x2], $0x80, s26, s28, $0xb8;
	[tilespmem:$0x1CC78] =	vst v63  }
0x5d: {  	_ =	swait.ge [sflag:s25], $0x2800  }
0x5e: {  	[sflag:s25] =	ssyncset.done $0x0  }
0x5f: {  	[sflag:s25] =	ssyncadd.s32 $0xFFFFD800  }
0x60: {  	[spmem:s4] =	stream.indirect.scatter.add.f32 [tilespmem:s31], [sflag:$0x2], $0x1, s26, s28, $0xb8;
	[tilespmem:$0x1CC78] =	vst v63  }
0x61: {  	_ =	swait.ge [sflag:s25], $0x50  }
0x62: {  	s0 =	simm.s32 $0xA;
	s7 =	simm.s32 $0x14;
	[sflag:s25] =	ssyncset.done $0x0  }
.LBB2_6:
0x63: {  	s8 =	sadd.s32 s0, s24  }
0x64: {  	[sflag:s25] =	ssyncadd.s32 $0xFFFFFFB0;
	s10 =	smov.u32 s7;
	s11 =	sadd.s32 $0xA, s7  }
0x65: {  	[tilespmem:s5], [sflag:$0x2] =	stream.linear.gather [hbm4b:s8+s5], $0x50, $0x38;
	[tilespmem:$0x1CC78] =	vst v63  }
0x66: {  	p1 =	sne.s32 s7, $0x4D8;
	_ =	swait.ge [sflag:s25], $0x50  }
0x67: {  	[sflag:s25] =	ssyncset.done $0x0  }
0x68: {  	s7 =	sadd.s32 s0, s23;
	s0 =	smov.u32 s10;
	[sflag:s25] =	ssyncadd.s32 $0xFFFFFFB0  }
0x69: {  	[tilespmem:s26], [sflag:$0x2] =	stream.linear.gather [hbm4b:s7+s5], $0x50, $0x38;
	[tilespmem:$0x1CC78] =	vst v63  }
0x6a: {  	_ =	swait.ge [sflag:s25], $0x50  }
0x6b: {  	[sflag:s25] =	ssyncset.done $0x0  }
0x6c: {  	[sflag:s25] =	ssyncadd.s32 $0xFFFFFFB0  }
0x6d: {  	[tilespmem:s29], [sflag:$0x1] =	stream.indirect.gather [hbm4b:s1+s28], $0x80, s5, s28, $0xb8;
	[tilespmem:$0x1CC78] =	vst v63  }
0x6e: {  	_ =	swait.ge [sflag:s30], $0x2800  }
0x6f: {  	[sflag:s30] =	ssyncset.done $0x0  }
0x70: {  	[sflag:s30] =	ssyncadd.s32 $0xFFFFD800  }
0x71: {  	[spmem:s3] =	stream.indirect.scatter.add.f32 [tilespmem:s29], [sflag:$0x2], $0x80, s26, s28, $0xb8;
	[tilespmem:$0x1CC78] =	vst v63  }
0x72: {  	_ =	swait.ge [sflag:s25], $0x2800  }
.Ltmp2:
0x73: {  	[sflag:s25] =	ssyncset.done $0x0;
	(pc) =	sbr.rel @p1 .LBB2_6-.Ltmp2, $4  }
0x74: {  	[sflag:s25] =	ssyncadd.s32 $0xFFFFD800  }
0x75: {  	[spmem:s4] =	stream.indirect.scatter.add.f32 [tilespmem:s31], [sflag:$0x2], $0x1, s26, s28, $0xb8;
	[tilespmem:$0x1CC78] =	vst v63  }
0x76: {  	_ =	swait.ge [sflag:s25], $0x50  }
0x77: {  	s7 =	smov.u32 s11;
	[sflag:s25] =	ssyncset.done $0x0  }
0x78: {  	s7 =	sadd.s32 s0, s24;
	[sflag:s25] =	ssyncadd.s32 $0xFFFFFFB0  }
0x79: {  	[tilespmem:s5], [sflag:$0x2] =	stream.linear.gather [hbm4b:s7+s5], $0x50, $0x38;
	[tilespmem:$0x1CC78] =	vst v63  }
0x7a: {  	_ =	swait.ge [sflag:s25], $0x50  }
0x7b: {  	[sflag:s25] =	ssyncset.done $0x0  }
0x7c: {  	s10 =	sadd.s32 s0, s23;
	[sflag:s25] =	ssyncadd.s32 $0xFFFFFFB0  }
0x7d: {  	[tilespmem:s26], [sflag:$0x2] =	stream.linear.gather [hbm4b:s10+s5], $0x50, $0x38;
	[tilespmem:$0x1CC78] =	vst v63  }
0x7e: {  	_ =	swait.ge [sflag:s25], $0x50  }
0x7f: {  	[sflag:s25] =	ssyncset.done $0x0  }
0x80: {  	[sflag:s25] =	ssyncadd.s32 $0xFFFFFFB0  }
0x81: {  	[tilespmem:s29], [sflag:$0x1] =	stream.indirect.gather [hbm4b:s1+s28], $0x80, s5, s28, $0xb8;
	[tilespmem:$0x1CC78] =	vst v63  }
0x82: {  	_ =	swait.ge [sflag:s30], $0x2800  }
0x83: {  	[sflag:s30] =	ssyncset.done $0x0  }
0x84: {  	[sflag:s30] =	ssyncadd.s32 $0xFFFFD800  }
0x85: {  	[spmem:s3] =	stream.indirect.scatter.add.f32 [tilespmem:s29], [sflag:$0x2], $0x80, s26, s28, $0xb8;
	[tilespmem:$0x1CC78] =	vst v63  }
0x86: {  	_ =	swait.ge [sflag:s25], $0x2800  }
0x87: {  	[sflag:s25] =	ssyncset.done $0x0  }
0x88: {  	[sflag:s25] =	ssyncadd.s32 $0xFFFFD800  }
0x89: {  	[spmem:s4] =	stream.indirect.scatter.add.f32 [tilespmem:s31], [sflag:$0x2], $0x1, s26, s28, $0xb8;
	[tilespmem:$0x1CC78] =	vst v63  }
0x8a: {  	_ =	swait.ge [sflag:s25], $0x50  }
0x8b: {  	[sflag:s25] =	ssyncset.done $0x0  }
0x8c: {  	[sflag:s25] =	ssyncadd.s32 $0xFFFFFFB0  }
0x8d: {  	s0 =	simm.s32 @!p0 $0x2980;
	s7 =	simm.s32 @!p0 $0x2;
	[bflag:$0x0] =	sbarrier.arrive $0xFFFF  }
0x8e: {  	[tilespmem:s0], [sflag:$0x2] =	stream.linear.gather @!p0 [spmem:s9], $0x6400, $0x38;
	[tilespmem:$0x1CC78] =	vst v63  }
0x8f: {  	_ =	swait.ge @!p0 [sflag:s7], $0x6400  }
0x90: {  	[sflag:s7] =	ssyncset.done @!p0 $0x0  }
0x91: {  	s8 =	simm.s32 @!p0 $0x0;
	[sflag:s7] =	ssyncadd.s32 @!p0 $0xFFFF9C00  }
0x92: {  	[hbm4b:s13+s8] =	stream.linear.scatter @!p0 [tilespmem:s0], [sflag:$0x2], $0x6400, $0x38;
	[tilespmem:$0x1CC78] =	vst v63  }
0x93: {  	_ =	swait.ge @!p0 [sflag:s7], $0x6400  }
0x94: {  	[sflag:s7] =	ssyncset.done @!p0 $0x0  }
0x95: {  	[sflag:s7] =	ssyncadd.s32 @!p0 $0xFFFF9C00  }
0x96: {  	[tilespmem:s0], [sflag:$0x2] =	stream.linear.gather @!p0 [spmem:s19], $0x6400, $0x38;
	[tilespmem:$0x1CC78] =	vst v63  }
0x97: {  	_ =	swait.ge @!p0 [sflag:s7], $0x6400  }
0x98: {  	[sflag:s7] =	ssyncset.done @!p0 $0x0  }
0x99: {  	[sflag:s7] =	ssyncadd.s32 @!p0 $0xFFFF9C00  }
0x9a: {  	[hbm4b:s14+s8] =	stream.linear.scatter @!p0 [tilespmem:s0], [sflag:$0x2], $0x6400, $0x38;
	[tilespmem:$0x1CC78] =	vst v63  }
0x9b: {  	_ =	swait.ge @!p0 [sflag:s7], $0x6400  }
0x9c: {  	[sflag:s7] =	ssyncset.done @!p0 $0x0  }
0x9d: {  	[sflag:s7] =	ssyncadd.s32 @!p0 $0xFFFF9C00  }
0x9e: {  	[tilespmem:s0], [sflag:$0x2] =	stream.linear.gather @!p0 [spmem:s20], $0x6400, $0x38;
	[tilespmem:$0x1CC78] =	vst v63  }
0x9f: {  	_ =	swait.ge @!p0 [sflag:s7], $0x6400  }
0xa0: {  	[sflag:s7] =	ssyncset.done @!p0 $0x0  }
0xa1: {  	[sflag:s7] =	ssyncadd.s32 @!p0 $0xFFFF9C00  }
0xa2: {  	[hbm4b:s15+s8] =	stream.linear.scatter @!p0 [tilespmem:s0], [sflag:$0x2], $0x6400, $0x38;
	[tilespmem:$0x1CC78] =	vst v63  }
0xa3: {  	_ =	swait.ge @!p0 [sflag:s7], $0x6400  }
0xa4: {  	[sflag:s7] =	ssyncset.done @!p0 $0x0  }
0xa5: {  	[sflag:s7] =	ssyncadd.s32 @!p0 $0xFFFF9C00  }
0xa6: {  	[tilespmem:s0], [sflag:$0x2] =	stream.linear.gather @!p0 [spmem:s21], $0x6400, $0x38;
	[tilespmem:$0x1CC78] =	vst v63  }
0xa7: {  	_ =	swait.ge @!p0 [sflag:s7], $0x6400  }
0xa8: {  	[sflag:s7] =	ssyncset.done @!p0 $0x0  }
0xa9: {  	[sflag:s7] =	ssyncadd.s32 @!p0 $0xFFFF9C00  }
0xaa: {  	[hbm4b:s16+s8] =	stream.linear.scatter @!p0 [tilespmem:s0], [sflag:$0x2], $0x6400, $0x38;
	[tilespmem:$0x1CC78] =	vst v63  }
0xab: {  	_ =	swait.ge @!p0 [sflag:s7], $0x6400  }
0xac: {  	[sflag:s7] =	ssyncset.done @!p0 $0x0  }
0xad: {  	[sflag:s7] =	ssyncadd.s32 @!p0 $0xFFFF9C00  }
0xae: {  	[tilespmem:s0], [sflag:$0x2] =	stream.linear.gather @!p0 [spmem:s22], $0x6400, $0x38;
	[tilespmem:$0x1CC78] =	vst v63  }
0xaf: {  	_ =	swait.ge @!p0 [sflag:s7], $0x6400  }
0xb0: {  	[sflag:s7] =	ssyncset.done @!p0 $0x0  }
0xb1: {  	[sflag:s7] =	ssyncadd.s32 @!p0 $0xFFFF9C00  }
0xb2: {  	[hbm4b:s17+s8] =	stream.linear.scatter @!p0 [tilespmem:s0], [sflag:$0x2], $0x6400, $0x38;
	[tilespmem:$0x1CC78] =	vst v63  }
0xb3: {  	_ =	swait.ge @!p0 [sflag:s7], $0x6400  }
0xb4: {  	[sflag:s7] =	ssyncset.done @!p0 $0x0  }
0xb5: {  	s0 =	simm.s32 @!p0 $0x8D80;
	[sflag:s7] =	ssyncadd.s32 @!p0 $0xFFFF9C00  }
0xb6: {  	[tilespmem:s0], [sflag:$0x2] =	stream.linear.gather @!p0 [spmem:s6], $0x3E8, $0x38;
	[tilespmem:$0x1CC78] =	vst v63  }
0xb7: {  	_ =	swait.ge @!p0 [sflag:s7], $0x3E8  }
0xb8: {  	[sflag:s7] =	ssyncset.done @!p0 $0x0  }
0xb9: {  	s10 =	rddreg [dreg:$0x6];
	[sflag:s7] =	ssyncadd.s32 @!p0 $0xFFFFFC18  }
0xba: {  	[hbm4b:s10+s8] =	stream.linear.scatter @!p0 [tilespmem:s0], [sflag:$0x2], $0x3E8, $0x38;
	[tilespmem:$0x1CC78] =	vst v63  }
0xbb: {  	_ =	swait.ge @!p0 [sflag:s7], $0x3E8  }
0xbc: {  	s2 =	sadd.s32 $0x1, s2;
	s11 =	rddreg [dreg:$0x7]  }
0xbd: {  	p1 =	sne.s32 s2, s11  }
.Ltmp3:
0xbe: {  	_ = 	snop;
	(pc) =	sbr.rel @p1 .LBB2_1-.Ltmp3, $3  }
0xbf: {  	_ =	sdelay $0x1  }
0xc0: {  	[sflag:s7] =	ssyncset.done @!p0 $0x0  }
0xc1: {  	[sflag:s7] =	ssyncadd.s32 @!p0 $0xFFFFFC18  }
0xc2: {  	_ =	sfence.sel $0x180000  }
0xc3: {  	[bflag:$0x0] =	sbarrier.arrive $0xFFFF  }
0xc4: {  	_ =	strace $0x90000047  }
0xc5: {  	s0 =	stileid.u32;
	[bflag:$0x2] =	sbarrier.arrive $0xFFFF  }
0xc6: {  	p0 =	sne.s32 s0, $0x0;
	s0 =	rddreg [dreg:$0x5]  }
0xc7: {  	s0 =	sadd.s32 @!p0 $0x100000, s0  }
0xc8: {  	[sflag:s0] =	ssyncadd.tile.s32 @!p0 $0x1;
	_ =	shalt  }
.Lfunc_end2:
_tile_overlayer_lowered:
.L_overlay_start_2:
0xc9: {  	(tag) =	ssettag $0x2  }
0xca: {  	s0 =	rddreg [dreg:$0x0];
	s2 =	stileid.u32  }
0xcb: {  	s1 =	rddreg [dreg:$0x1];
	p0 =	sne.s32 s2, $0x0  }
0xcc: {  	s3 =	rddreg [dreg:$0x2];
	[bflag:$0x3] =	sbarrier.arrive $0xFFFF;
	s2 =	simm.s32 @!p0 $0x1C02  }
0xcd: {  	[timem:s3], [sflag:s2] =	dma.local @!p0 [hbm:s0], s1  }
0xce: {  	s0 =	simm.s32 @!p0 $0x2  }
0xcf: {  	_ =	swait.ge @!p0 [sflag:s0], s1  }
0xd0: {  	s1 =	ssub.s32 @!p0 $0x0, s1;
	[sflag:s0] =	ssyncset.done @!p0 $0x0  }
0xd1: {  	[sflag:s0] =	ssyncadd.s32 @!p0 s1  }
0xd2: {  	[bflag:$0x3] =	sbarrier.arrive $0xFFFF  }
0xd3: {  	_ =	shalt  }

</sc_bundles>
